<compile_context>
chip_gen: v7x
topology: tpu7x:2x2x1
jax: 0.10.2.dev20260603
libtpu: 0.0.44.dev20260713+nightly
codegen_flags: <defaults>
</compile_context>

<pallas_src>
import functools

import jax
import jax.numpy as jnp
from jax import lax
from jax.experimental import pallas as pl
from jax.experimental.pallas import tpu as pltpu
from jax.experimental.pallas import tpu_sc as plsc

_N = 16384
_ROWS = 64
_COLS = 1_000_000
_L = 16
_BLK_C = 32768
_GRID = 31
_W = _GRID * _BLK_C
_NT = 16
_PER_T = _N // _NT
_WH = _W // 2
_PT_W = _WH // _NT
_ZCH = 7936


def _sc_counts(idx, off16):
    mesh = plsc.VectorSubcoreMesh(core_axis_name="c", subcore_axis_name="s")

    @functools.partial(
        pl.kernel,
        mesh=mesh,
        out_type=jax.ShapeDtypeStruct((_W,), jnp.float32),
        scratch_types=[
            pltpu.VMEM((_PER_T,), jnp.int32),
            pltpu.VMEM((_L,), jnp.int32),
            pltpu.VMEM((_ZCH,), jnp.float32),
            pltpu.VMEM((128,), jnp.float32),
            pltpu.VMEM((128,), jnp.float32),
            pltpu.VMEM_SHARED((_WH + 256,), jnp.float32),
        ],
    )
    def body(idx_hbm, off_hbm, w_hbm, idx_v, off_v, zero_v, one_v, flush_v,
             shared):
        core = lax.axis_index("c")
        tid = lax.axis_index("s")

        def fill(ref, n, val):
            def _f(i, carry):
                ref[pl.ds(i * _L, _L)] = jnp.full((_L,), val, jnp.float32)
                return carry
            lax.fori_loop(0, n // _L, _f, 0)

        fill(zero_v, _ZCH, 0.0)
        fill(one_v, 128, 1.0)
        base = tid * _PT_W

        def zchunk(k, carry):
            pltpu.sync_copy(zero_v, shared.at[pl.ds(base + k * _ZCH, _ZCH)])
            return carry
        lax.fori_loop(0, _PT_W // _ZCH, zchunk, 0)

        @pl.when(tid == 0)
        def _():
            pltpu.sync_copy(zero_v.at[pl.ds(0, 256)],
                            shared.at[pl.ds(_WH, 256)])

        pltpu.sync_copy(idx_hbm.at[pl.ds(tid * _PER_T, _PER_T)], idx_v)
        pltpu.sync_copy(off_hbm, off_v)
        lo = core * _WH
        offd = off_v[...] - lo
        dump = _WH + tid * _L + lax.iota(jnp.int32, _L)

        def localize(i, carry):
            sl = pl.ds(i * _L, _L)
            v = idx_v[sl] + offd
            ok = (v >= 0) & (v < _WH)
            idx_v[sl] = jnp.where(ok, v, dump)
            return carry
        lax.fori_loop(0, _PER_T // _L, localize, 0)
        pltpu.sync_copy(shared.at[pl.ds(base, 128)], flush_v)
        plsc.subcore_barrier()

        def scatter(c, carry):
            pltpu.sync_copy(
                one_v, shared.at[idx_v.at[pl.ds(c * 128, 128)]], add=True)
            return carry
        lax.fori_loop(0, _PER_T // 128, scatter, 0)
        pltpu.sync_copy(
            shared.at[idx_v.at[pl.ds(_PER_T - 128, 128)]], flush_v)
        plsc.subcore_barrier()

        def wchunk(k, carry):
            pltpu.sync_copy(
                shared.at[pl.ds(base + k * _ZCH, _ZCH)],
                w_hbm.at[pl.ds(lo + base + k * _ZCH, _ZCH)])
            return carry
        lax.fori_loop(0, _PT_W // _ZCH, wchunk, 0)

    return body(idx, off16)


def _tc_matvec(scdata, w):
    def body(sc_ref, w_ref, out_ref):
        pid = pl.program_id(0)
        part = lax.dot_general(
            sc_ref[...], w_ref[...], (((1,), (0,)), ((), ())),
            preferred_element_type=jnp.float32)

        @pl.when(pid == 0)
        def _():
            out_ref[...] = jnp.zeros_like(out_ref)

        out_ref[...] += part

    return pl.pallas_call(
        body,
        grid=(_GRID,),
        in_specs=[
            pl.BlockSpec((_ROWS, _BLK_C), lambda i: (0, i)),
            pl.BlockSpec((_BLK_C,), lambda i: (i,)),
        ],
        out_specs=pl.BlockSpec((_ROWS,), lambda i: (0,)),
        out_shape=jax.ShapeDtypeStruct((_ROWS,), jnp.float32),
    )(scdata, w)


def kernel(scdata, inputs):
    idx = jax.random.randint(
        jax.random.key(1), (_N,), 0, scdata.shape[1] - 1, dtype=jnp.int32)
    off16 = jnp.full(
        (_L,), jnp.asarray(inputs, dtype=jnp.int32) - jnp.int32(_N),
        dtype=jnp.int32)
    w = _sc_counts(idx, off16)
    return _tc_matvec(scdata, w)

# --- scband reference (transcript-rebuilt; emitter-appended) ---
"""Pipeline reference for scband-subsampling-21157008900291 (READ-ONLY COPY).

The authoritative reference and input builder live on the scoring server;
editing this copy changes nothing except your own understanding.
"""

import jax, jax.numpy as jnp
import numpy as np

# The Keras layer stores a constant data matrix `scdata` at construction time.
# forward(inputs: int) draws `inputs` random column indices uniformly in
# [0, scdata.shape[1]-1), gathers those columns, and sums over the sampled axis.

SCDATA_SHAPE = (64, 1000000)
NUM_SAMPLES = 16384


def setup_inputs(seed: int = 0) -> dict:
    key = jax.random.key(seed)
    scdata = jax.random.normal(key, SCDATA_SHAPE, dtype=jnp.float32)
    return {"scdata": scdata, "inputs": NUM_SAMPLES}


def reference(scdata, inputs):
    # tf.random.uniform(shape=[inputs], minval=0, maxval=D1-1, dtype=int32)
    # -> deterministic jax equivalent with a fixed key for reproducibility
    idx_key = jax.random.key(1)
    idx = jax.random.randint(idx_key, (NUM_SAMPLES,), 0, scdata.shape[1] - 1, dtype=jnp.int32)
    idx = idx + (jnp.asarray(inputs, dtype=jnp.int32) - jnp.int32(NUM_SAMPLES))
    # tf.gather(scdata, idx, axis=1)
    subset = jnp.take(scdata, idx, axis=1)
    # tf.reduce_sum(subset, axis=1)
    return jnp.sum(subset, axis=1)

if __name__ == "__main__":
    import jax
    _d = setup_inputs()
    print(jax.jit(kernel)(*tuple(_d.values())))

</pallas_src>

<mosaic_0001>
#map = affine_map<(d0, d1) -> (0)>
module attributes {stable_mosaic.version = 14 : i64} {
  func.func @body(%arg0: i32, %arg1: i32, %arg2: memref<16384xi32, #tpu.memory_space<hbm>>, %arg3: memref<16xi32, #tpu.memory_space<hbm>>, %arg4: memref<1015808xf32, #tpu.memory_space<hbm>>, %arg5: memref<1024xi32, #tpu.memory_space<vmem>>, %arg6: memref<16xi32, #tpu.memory_space<vmem>>, %arg7: memref<7936xf32, #tpu.memory_space<vmem>>, %arg8: memref<128xf32, #tpu.memory_space<vmem>>, %arg9: memref<128xf32, #tpu.memory_space<vmem>>, %arg10: memref<508160xf32, #tpu.memory_space<vmem_shared>>) attributes {dimension_semantics = [#tpu.dimension_semantics<core_parallel>, #tpu.dimension_semantics<subcore_parallel>], iteration_bounds = array<i64: 2, 16>, scalar_prefetch = 0 : i64, scratch_operands = 6 : i64, tpu.core_type = #tpu.core_type<sc_vector_subcore>, window_params = [{transform_indices = #map}, {transform_indices = #map}, {transform_indices = #map}]} {
    %scan3A = arith.constant 0 : i32
    %scan3A_0 = arith.constant 0 : i32
    %scan3A_1 = arith.constant 496 : i32
    %scan3A_2 = arith.addi %scan3A_0, %scan3A_1 : i32
    %scan3A_3 = arith.constant 1 : i32
    scf.for %scan3A_51 = %scan3A_0 to %scan3A_2 step %scan3A_3  : i32 {
      %broadcast_in_dim3A = arith.constant 0.000000e+00 : f32
      %broadcast_in_dim3A_52 = vector.broadcast %broadcast_in_dim3A : f32 to vector<16xf32>
      %mul3A_53 = arith.constant 16 : i32
      %mul3A_54 = arith.muli %scan3A_51, %mul3A_53 : i32
      %swap3A = arith.index_cast %mul3A_54 : i32 to index
      %swap3A_55 = tpu.vector_load %arg7[%swap3A] {strides = array<i32>} : memref<7936xf32, #tpu.memory_space<vmem>>, vector<16xf32>,
      %swap3A_56 = vector.shape_cast %swap3A_55 : vector<16xf32> to vector<16xf32>
      %swap3A_57 = vector.shape_cast %broadcast_in_dim3A_52 : vector<16xf32> to vector<16xf32>
      tpu.vector_store %arg7[%swap3A], %swap3A_57 {strides = array<i32>} : memref<7936xf32, #tpu.memory_space<vmem>>, vector<16xf32>,
    }
    %scan3A_4 = arith.constant 496 : i32
    %scan3A_5 = arith.constant 0 : i32
    %scan3A_6 = arith.constant 0 : i32
    %scan3A_7 = arith.constant 8 : i32
    %scan3A_8 = arith.addi %scan3A_6, %scan3A_7 : i32
    %scan3A_9 = arith.constant 1 : i32
    scf.for %scan3A_51 = %scan3A_6 to %scan3A_8 step %scan3A_9  : i32 {
      %broadcast_in_dim3A = arith.constant 1.000000e+00 : f32
      %broadcast_in_dim3A_52 = vector.broadcast %broadcast_in_dim3A : f32 to vector<16xf32>
      %mul3A_53 = arith.constant 16 : i32
      %mul3A_54 = arith.muli %scan3A_51, %mul3A_53 : i32
      %swap3A = arith.index_cast %mul3A_54 : i32 to index
      %swap3A_55 = tpu.vector_load %arg8[%swap3A] {strides = array<i32>} : memref<128xf32, #tpu.memory_space<vmem>>, vector<16xf32>,
      %swap3A_56 = vector.shape_cast %swap3A_55 : vector<16xf32> to vector<16xf32>
      %swap3A_57 = vector.shape_cast %broadcast_in_dim3A_52 : vector<16xf32> to vector<16xf32>
      tpu.vector_store %arg8[%swap3A], %swap3A_57 {strides = array<i32>} : memref<128xf32, #tpu.memory_space<vmem>>, vector<16xf32>,
    }
    %scan3A_10 = arith.constant 8 : i32
    %mul3A = arith.constant 31744 : i32
    %mul3A_11 = arith.muli %arg1, %mul3A : i32
    %scan3A_12 = arith.constant 0 : i32
    %scan3A_13 = arith.constant 0 : i32
    %scan3A_14 = arith.constant 4 : i32
    %scan3A_15 = arith.addi %scan3A_13, %scan3A_14 : i32
    %scan3A_16 = arith.constant 1 : i32
    scf.for %scan3A_51 = %scan3A_13 to %scan3A_15 step %scan3A_16  : i32 {
      %mul3A_52 = arith.constant 7936 : i32
      %mul3A_53 = arith.muli %scan3A_51, %mul3A_52 : i32
      %add3A_54 = arith.addi %mul3A_11, %mul3A_53 : i32
      "tpu.region"() ({
        %run_scoped3A = tpu.sem_alloc : memref<!tpu.dma_semaphore, #tpu.memory_space<semaphore_mem>>
        %dma_start3A = tpu.memref_slice %arg10[%add3A_54] : memref<508160xf32, #tpu.memory_space<vmem_shared>> -> memref<7936xf32, #tpu.memory_space<vmem_shared>>
        %dma_start3A_55 = tpu.memref_slice %arg10[%add3A_54] : memref<508160xf32, #tpu.memory_space<vmem_shared>> -> memref<7936xf32, #tpu.memory_space<vmem_shared>>
        tpu.enqueue_dma source(%arg7 : memref<7936xf32, #tpu.memory_space<vmem>>) target(%dma_start3A_55 : memref<7936xf32, #tpu.memory_space<vmem_shared>>) target_semaphore(%run_scoped3A : memref<!tpu.dma_semaphore, #tpu.memory_space<semaphore_mem>>)
        %dma_wait3A = tpu.memref_slice %arg10[%add3A_54] : memref<508160xf32, #tpu.memory_space<vmem_shared>> -> memref<7936xf32, #tpu.memory_space<vmem_shared>>
        %dma_wait3A_56 = tpu.memref_slice %arg10[%add3A_54] : memref<508160xf32, #tpu.memory_space<vmem_shared>> -> memref<7936xf32, #tpu.memory_space<vmem_shared>>
        tpu.wait_dma2 semaphore(%run_scoped3A : memref<!tpu.dma_semaphore, #tpu.memory_space<semaphore_mem>>) src(%arg7 : memref<7936xf32, #tpu.memory_space<vmem>>) dst(%dma_wait3A_56 : memref<7936xf32, #tpu.memory_space<vmem_shared>>)
        tpu.yield
      }) : () -> ()
    }
    %scan3A_17 = arith.constant 4 : i32
    %eq3A = arith.constant 0 : i32
    %eq3A_18 = arith.cmpi eq, %arg1, %eq3A : i32
    %convert_element_type3A = arith.extui %eq3A_18 : i1 to i32
    %cond3A = arith.constant 0 : i32
    %cond3A_19 = arith.cmpi ne, %convert_element_type3A, %cond3A : i32
    scf.if %cond3A_19 {
      "tpu.region"() ({
        %run_scoped3A = tpu.sem_alloc : memref<!tpu.dma_semaphore, #tpu.memory_space<semaphore_mem>>
        %dma_start3A = arith.constant 0 : i32
        %dma_start3A_51 = tpu.memref_slice %arg7[%dma_start3A] : memref<7936xf32, #tpu.memory_space<vmem>> -> memref<256xf32, #tpu.memory_space<vmem>>
        %dma_start3A_52 = arith.constant 507904 : i32
        %dma_start3A_53 = tpu.memref_slice %arg10[%dma_start3A_52] : memref<508160xf32, #tpu.memory_space<vmem_shared>> -> memref<256xf32, #tpu.memory_space<vmem_shared>>
        %dma_start3A_54 = arith.constant 507904 : i32
        %dma_start3A_55 = tpu.memref_slice %arg10[%dma_start3A_54] : memref<508160xf32, #tpu.memory_space<vmem_shared>> -> memref<256xf32, #tpu.memory_space<vmem_shared>>
        %dma_start3A_56 = arith.constant 0 : i32
        %dma_start3A_57 = tpu.memref_slice %arg7[%dma_start3A_56] : memref<7936xf32, #tpu.memory_space<vmem>> -> memref<256xf32, #tpu.memory_space<vmem>>
        tpu.enqueue_dma source(%dma_start3A_57 : memref<256xf32, #tpu.memory_space<vmem>>) target(%dma_start3A_55 : memref<256xf32, #tpu.memory_space<vmem_shared>>) target_semaphore(%run_scoped3A : memref<!tpu.dma_semaphore, #tpu.memory_space<semaphore_mem>>)
        %dma_wait3A = arith.constant 0 : i32
        %dma_wait3A_58 = tpu.memref_slice %arg7[%dma_wait3A] : memref<7936xf32, #tpu.memory_space<vmem>> -> memref<256xf32, #tpu.memory_space<vmem>>
        %dma_wait3A_59 = arith.constant 507904 : i32
        %dma_wait3A_60 = tpu.memref_slice %arg10[%dma_wait3A_59] : memref<508160xf32, #tpu.memory_space<vmem_shared>> -> memref<256xf32, #tpu.memory_space<vmem_shared>>
        %dma_wait3A_61 = arith.constant 507904 : i32
        %dma_wait3A_62 = tpu.memref_slice %arg10[%dma_wait3A_61] : memref<508160xf32, #tpu.memory_space<vmem_shared>> -> memref<256xf32, #tpu.memory_space<vmem_shared>>
        %dma_wait3A_63 = arith.constant 0 : i32
        %dma_wait3A_64 = tpu.memref_slice %arg7[%dma_wait3A_63] : memref<7936xf32, #tpu.memory_space<vmem>> -> memref<256xf32, #tpu.memory_space<vmem>>
        tpu.wait_dma2 semaphore(%run_scoped3A : memref<!tpu.dma_semaphore, #tpu.memory_space<semaphore_mem>>) src(%dma_wait3A_64 : memref<256xf32, #tpu.memory_space<vmem>>) dst(%dma_wait3A_62 : memref<256xf32, #tpu.memory_space<vmem_shared>>)
        tpu.yield
      }) : () -> ()
    } else {
    }
    %mul3A_20 = arith.constant 1024 : i32
    %mul3A_21 = arith.muli %arg1, %mul3A_20 : i32
    "tpu.region"() ({
      %run_scoped3A = tpu.sem_alloc : memref<!tpu.dma_semaphore, #tpu.memory_space<semaphore_mem>>
      %dma_start3A = tpu.memref_slice %arg2[%mul3A_21] : memref<16384xi32, #tpu.memory_space<hbm>> -> memref<1024xi32, #tpu.memory_space<hbm>>
      %dma_start3A_51 = tpu.memref_slice %arg2[%mul3A_21] : memref<16384xi32, #tpu.memory_space<hbm>> -> memref<1024xi32, #tpu.memory_space<hbm>>
      tpu.enqueue_dma source(%dma_start3A_51 : memref<1024xi32, #tpu.memory_space<hbm>>) target(%arg5 : memref<1024xi32, #tpu.memory_space<vmem>>) target_semaphore(%run_scoped3A : memref<!tpu.dma_semaphore, #tpu.memory_space<semaphore_mem>>)
      %dma_wait3A = tpu.memref_slice %arg2[%mul3A_21] : memref<16384xi32, #tpu.memory_space<hbm>> -> memref<1024xi32, #tpu.memory_space<hbm>>
      %dma_wait3A_52 = tpu.memref_slice %arg2[%mul3A_21] : memref<16384xi32, #tpu.memory_space<hbm>> -> memref<1024xi32, #tpu.memory_space<hbm>>
      tpu.wait_dma2 semaphore(%run_scoped3A : memref<!tpu.dma_semaphore, #tpu.memory_space<semaphore_mem>>) src(%dma_wait3A_52 : memref<1024xi32, #tpu.memory_space<hbm>>) dst(%arg5 : memref<1024xi32, #tpu.memory_space<vmem>>)
      tpu.yield
    }) : () -> ()
    "tpu.region"() ({
      %run_scoped3A = tpu.sem_alloc : memref<!tpu.dma_semaphore, #tpu.memory_space<semaphore_mem>>
      tpu.enqueue_dma source(%arg3 : memref<16xi32, #tpu.memory_space<hbm>>) target(%arg6 : memref<16xi32, #tpu.memory_space<vmem>>) target_semaphore(%run_scoped3A : memref<!tpu.dma_semaphore, #tpu.memory_space<semaphore_mem>>)
      tpu.wait_dma2 semaphore(%run_scoped3A : memref<!tpu.dma_semaphore, #tpu.memory_space<semaphore_mem>>) src(%arg3 : memref<16xi32, #tpu.memory_space<hbm>>) dst(%arg6 : memref<16xi32, #tpu.memory_space<vmem>>)
      tpu.yield
    }) : () -> ()
    %mul3A_22 = arith.constant 507904 : i32
    %mul3A_23 = arith.muli %arg0, %mul3A_22 : i32
    %get3A = arith.constant 0 : index
    %get3A_24 = tpu.vector_load %arg6[%get3A] {strides = array<i32>} : memref<16xi32, #tpu.memory_space<vmem>>, vector<16xi32>,
    %get3A_25 = vector.shape_cast %get3A_24 : vector<16xi32> to vector<16xi32>
    %sub3A = vector.broadcast %mul3A_23 : i32 to vector<16xi32>
    %sub3A_26 = arith.subi %get3A_25, %sub3A : vector<16xi32>
    %mul3A_27 = arith.constant 16 : i32
    %mul3A_28 = arith.muli %arg1, %mul3A_27 : i32
    %add3A = arith.constant 507904 : i32
    %add3A_29 = arith.addi %add3A, %mul3A_28 : i32
    %iota3A = tpu.iota {dimensions = array<i32: 0>} : vector<16xi32>
    %add3A_30 = vector.broadcast %add3A_29 : i32 to vector<16xi32>
    %add3A_31 = arith.addi %add3A_30, %iota3A : vector<16xi32>
    %scan3A_32 = arith.constant 0 : i32
    %scan3A_33 = arith.constant 0 : i32
    %scan3A_34 = arith.constant 64 : i32
    %scan3A_35 = arith.addi %scan3A_33, %scan3A_34 : i32
    %scan3A_36 = arith.constant 1 : i32
    scf.for %scan3A_51 = %scan3A_33 to %scan3A_35 step %scan3A_36  : i32 {
      %mul3A_52 = arith.constant 16 : i32
      %mul3A_53 = arith.muli %scan3A_51, %mul3A_52 : i32
      %get3A_54 = arith.index_cast %mul3A_53 : i32 to index
      %get3A_55 = tpu.vector_load %arg5[%get3A_54] {strides = array<i32>} : memref<1024xi32, #tpu.memory_space<vmem>>, vector<16xi32>,
      %get3A_56 = vector.shape_cast %get3A_55 : vector<16xi32> to vector<16xi32>
      %add3A_57 = arith.addi %get3A_56, %sub3A_26 : vector<16xi32>
      %ge3A = arith.constant 0 : i32
      %ge3A_58 = vector.broadcast %ge3A : i32 to vector<16xi32>
      %ge3A_59 = arith.cmpi sge, %add3A_57, %ge3A_58 : vector<16xi32>
      %lt3A = arith.constant 507904 : i32
      %lt3A_60 = vector.broadcast %lt3A : i32 to vector<16xi32>
      %lt3A_61 = arith.cmpi slt, %add3A_57, %lt3A_60 : vector<16xi32>
      %and3A = arith.andi %ge3A_59, %lt3A_61 : vector<16xi1>
      %select_n3A = arith.select %and3A, %add3A_57, %add3A_31 : vector<16xi1>, vector<16xi32>
      %swap3A = arith.index_cast %mul3A_53 : i32 to index
      %swap3A_62 = tpu.vector_load %arg5[%swap3A] {strides = array<i32>} : memref<1024xi32, #tpu.memory_space<vmem>>, vector<16xi32>,
      %swap3A_63 = vector.shape_cast %swap3A_62 : vector<16xi32> to vector<16xi32>
      %swap3A_64 = vector.shape_cast %select_n3A : vector<16xi32> to vector<16xi32>
      tpu.vector_store %arg5[%swap3A], %swap3A_64 {strides = array<i32>} : memref<1024xi32, #tpu.memory_space<vmem>>, vector<16xi32>,
    }
    %scan3A_37 = arith.constant 64 : i32
    "tpu.region"() ({
      %run_scoped3A = tpu.sem_alloc : memref<!tpu.dma_semaphore, #tpu.memory_space<semaphore_mem>>
      %dma_start3A = tpu.memref_slice %arg10[%mul3A_11] : memref<508160xf32, #tpu.memory_space<vmem_shared>> -> memref<128xf32, #tpu.memory_space<vmem_shared>>
      %dma_start3A_51 = tpu.memref_slice %arg10[%mul3A_11] : memref<508160xf32, #tpu.memory_space<vmem_shared>> -> memref<128xf32, #tpu.memory_space<vmem_shared>>
      tpu.enqueue_dma source(%dma_start3A_51 : memref<128xf32, #tpu.memory_space<vmem_shared>>) target(%arg9 : memref<128xf32, #tpu.memory_space<vmem>>) target_semaphore(%run_scoped3A : memref<!tpu.dma_semaphore, #tpu.memory_space<semaphore_mem>>)
      %dma_wait3A = tpu.memref_slice %arg10[%mul3A_11] : memref<508160xf32, #tpu.memory_space<vmem_shared>> -> memref<128xf32, #tpu.memory_space<vmem_shared>>
      %dma_wait3A_52 = tpu.memref_slice %arg10[%mul3A_11] : memref<508160xf32, #tpu.memory_space<vmem_shared>> -> memref<128xf32, #tpu.memory_space<vmem_shared>>
      tpu.wait_dma2 semaphore(%run_scoped3A : memref<!tpu.dma_semaphore, #tpu.memory_space<semaphore_mem>>) src(%dma_wait3A_52 : memref<128xf32, #tpu.memory_space<vmem_shared>>) dst(%arg9 : memref<128xf32, #tpu.memory_space<vmem>>)
      tpu.yield
    }) : () -> ()
    %barrier3A = arith.constant 0 : index
    tpu.barrier barrier_id(%barrier3A)
    %scan3A_38 = arith.constant 0 : i32
    %scan3A_39 = arith.constant 0 : i32
    %scan3A_40 = arith.constant 8 : i32
    %scan3A_41 = arith.addi %scan3A_39, %scan3A_40 : i32
    %scan3A_42 = arith.constant 1 : i32
    scf.for %scan3A_51 = %scan3A_39 to %scan3A_41 step %scan3A_42  : i32 {
      %mul3A_52 = arith.constant 128 : i32
      %mul3A_53 = arith.muli %scan3A_51, %mul3A_52 : i32
      "tpu.region"() ({
        %run_scoped3A = tpu.sem_alloc : memref<!tpu.dma_semaphore, #tpu.memory_space<semaphore_mem>>
        %dma_start3A = tpu.memref_slice %arg5[%mul3A_53] : memref<1024xi32, #tpu.memory_space<vmem>> -> memref<128xi32, #tpu.memory_space<vmem>>
        %dma_start3A_54 = arith.constant 0 : i32
        %dma_start3A_55 = tpu.memref_slice %arg10[%dma_start3A_54] : memref<508160xf32, #tpu.memory_space<vmem_shared>> -> memref<508160xf32, #tpu.memory_space<vmem_shared>>
        tpu.enqueue_indirect_dma source(%arg8 : memref<128xf32, #tpu.memory_space<vmem>>) target(%dma_start3A_55 : memref<508160xf32, #tpu.memory_space<vmem_shared>>) offsets(%dma_start3A : memref<128xi32, #tpu.memory_space<vmem>>) semaphore(%run_scoped3A : memref<!tpu.dma_semaphore, #tpu.memory_space<semaphore_mem>>) {add = true}
        %dma_wait3A = tpu.memref_slice %arg5[%mul3A_53] : memref<1024xi32, #tpu.memory_space<vmem>> -> memref<128xi32, #tpu.memory_space<vmem>>
        %dma_wait3A_56 = arith.constant 0 : i32
        %dma_wait3A_57 = tpu.memref_slice %arg10[%dma_wait3A_56] : memref<508160xf32, #tpu.memory_space<vmem_shared>> -> memref<508160xf32, #tpu.memory_space<vmem_shared>>
        tpu.wait_indirect_dma semaphore(%run_scoped3A : memref<!tpu.dma_semaphore, #tpu.memory_space<semaphore_mem>>) src(%arg8 : memref<128xf32, #tpu.memory_space<vmem>>) dst(%dma_wait3A_57 : memref<508160xf32, #tpu.memory_space<vmem_shared>>)
        tpu.yield
      }) : () -> ()
    }
    %scan3A_43 = arith.constant 8 : i32
    "tpu.region"() ({
      %run_scoped3A = tpu.sem_alloc : memref<!tpu.dma_semaphore, #tpu.memory_space<semaphore_mem>>
      %dma_start3A = arith.constant 896 : i32
      %dma_start3A_51 = tpu.memref_slice %arg5[%dma_start3A] : memref<1024xi32, #tpu.memory_space<vmem>> -> memref<128xi32, #tpu.memory_space<vmem>>
      %dma_start3A_52 = arith.constant 0 : i32
      %dma_start3A_53 = tpu.memref_slice %arg10[%dma_start3A_52] : memref<508160xf32, #tpu.memory_space<vmem_shared>> -> memref<508160xf32, #tpu.memory_space<vmem_shared>>
      tpu.enqueue_indirect_dma source(%dma_start3A_53 : memref<508160xf32, #tpu.memory_space<vmem_shared>>) target(%arg9 : memref<128xf32, #tpu.memory_space<vmem>>) offsets(%dma_start3A_51 : memref<128xi32, #tpu.memory_space<vmem>>) semaphore(%run_scoped3A : memref<!tpu.dma_semaphore, #tpu.memory_space<semaphore_mem>>)
      %dma_wait3A = arith.constant 896 : i32
      %dma_wait3A_54 = tpu.memref_slice %arg5[%dma_wait3A] : memref<1024xi32, #tpu.memory_space<vmem>> -> memref<128xi32, #tpu.memory_space<vmem>>
      %dma_wait3A_55 = arith.constant 0 : i32
      %dma_wait3A_56 = tpu.memref_slice %arg10[%dma_wait3A_55] : memref<508160xf32, #tpu.memory_space<vmem_shared>> -> memref<508160xf32, #tpu.memory_space<vmem_shared>>
      tpu.wait_indirect_dma semaphore(%run_scoped3A : memref<!tpu.dma_semaphore, #tpu.memory_space<semaphore_mem>>) src(%dma_wait3A_56 : memref<508160xf32, #tpu.memory_space<vmem_shared>>) dst(%arg9 : memref<128xf32, #tpu.memory_space<vmem>>)
      tpu.yield
    }) : () -> ()
    %barrier3A_44 = arith.constant 0 : index
    tpu.barrier barrier_id(%barrier3A_44)
    %scan3A_45 = arith.constant 0 : i32
    %scan3A_46 = arith.constant 0 : i32
    %scan3A_47 = arith.constant 4 : i32
    %scan3A_48 = arith.addi %scan3A_46, %scan3A_47 : i32
    %scan3A_49 = arith.constant 1 : i32
    scf.for %scan3A_51 = %scan3A_46 to %scan3A_48 step %scan3A_49  : i32 {
      %mul3A_52 = arith.constant 7936 : i32
      %mul3A_53 = arith.muli %scan3A_51, %mul3A_52 : i32
      %add3A_54 = arith.addi %mul3A_11, %mul3A_53 : i32
      %add3A_55 = arith.addi %mul3A_23, %mul3A_11 : i32
      %mul3A_56 = arith.constant 7936 : i32
      %mul3A_57 = arith.muli %scan3A_51, %mul3A_56 : i32
      %add3A_58 = arith.addi %add3A_55, %mul3A_57 : i32
      "tpu.region"() ({
        %run_scoped3A = tpu.sem_alloc : memref<!tpu.dma_semaphore, #tpu.memory_space<semaphore_mem>>
        %dma_start3A = tpu.memref_slice %arg4[%add3A_58] : memref<1015808xf32, #tpu.memory_space<hbm>> -> memref<7936xf32, #tpu.memory_space<hbm>>
        %dma_start3A_59 = tpu.memref_slice %arg10[%add3A_54] : memref<508160xf32, #tpu.memory_space<vmem_shared>> -> memref<7936xf32, #tpu.memory_space<vmem_shared>>
        tpu.enqueue_dma source(%dma_start3A_59 : memref<7936xf32, #tpu.memory_space<vmem_shared>>) target(%dma_start3A : memref<7936xf32, #tpu.memory_space<hbm>>) target_semaphore(%run_scoped3A : memref<!tpu.dma_semaphore, #tpu.memory_space<semaphore_mem>>)
        %dma_wait3A = tpu.memref_slice %arg4[%add3A_58] : memref<1015808xf32, #tpu.memory_space<hbm>> -> memref<7936xf32, #tpu.memory_space<hbm>>
        %dma_wait3A_60 = tpu.memref_slice %arg10[%add3A_54] : memref<508160xf32, #tpu.memory_space<vmem_shared>> -> memref<7936xf32, #tpu.memory_space<vmem_shared>>
        tpu.wait_dma2 semaphore(%run_scoped3A : memref<!tpu.dma_semaphore, #tpu.memory_space<semaphore_mem>>) src(%dma_wait3A_60 : memref<7936xf32, #tpu.memory_space<vmem_shared>>) dst(%dma_wait3A : memref<7936xf32, #tpu.memory_space<hbm>>)
        tpu.yield
      }) : () -> ()
    }
    %scan3A_50 = arith.constant 4 : i32
    return
  }
}

module attributes {stable_mosaic.version = 14 : i64} {
  func.func @body(%arg0: i32, %arg1: memref<64x32768xf32, #tpu.memory_space<vmem>>, %arg2: memref<32768xf32, #tpu.memory_space<vmem>>, %arg3: memref<64xf32, #tpu.memory_space<vmem>>) attributes {dimension_semantics = [#tpu.dimension_semantics<arbitrary>], iteration_bounds = array<i64: 31>, scalar_prefetch = 0 : i64, scratch_operands = 0 : i64, tpu.core_type = #tpu.core_type<tc>, window_params = [{transform_indices = @transform_0, window_bounds = array<i64: 64, 32768>}, {transform_indices = @transform_1, window_bounds = array<i64: 32768>}, {pipeline_mode = #tpu.pipeline_mode<synchronous>, transform_indices = @transform_2, window_bounds = array<i64: 64>}]} {
    %get3A = arith.constant 0 : index
    %get3A_0 = arith.constant 0 : index
    %get3A_1 = vector.load %arg1[%get3A, %get3A_0] : memref<64x32768xf32, #tpu.memory_space<vmem>>, vector<64x32768xf32>
    %get3A_2 = arith.constant 0 : index
    %get3A_3 = vector.load %arg2[%get3A_2] : memref<32768xf32, #tpu.memory_space<vmem>>, vector<32768xf32>
    %dot_general3A = arith.constant dense<0.000000e+00> : vector<64xf32>
    %dot_general3A_4 = tpu.matmul %get3A_1, %get3A_3, %dot_general3A {dimension_numbers = #tpu.dot_dimension_numbers<[1], [0], [0], [], [0, 0], [], []>, transpose_lhs_hint = false} : vector<64x32768xf32>, vector<32768xf32>, vector<64xf32> -> vector<64xf32>
    %eq3A = arith.constant 0 : i32
    %eq3A_5 = arith.cmpi eq, %arg0, %eq3A : i32
    %convert_element_type3A = arith.extui %eq3A_5 : i1 to i32
    %cond3A = arith.constant 0 : i32
    %cond3A_6 = arith.cmpi ne, %convert_element_type3A, %cond3A : i32
    scf.if %cond3A_6 {
      %broadcast_in_dim3A = arith.constant 0.000000e+00 : f32
      %broadcast_in_dim3A_10 = vector.broadcast %broadcast_in_dim3A : f32 to vector<64xf32>
      %swap3A_11 = arith.constant 0 : index
      %swap3A_12 = vector.load %arg3[%swap3A_11] : memref<64xf32, #tpu.memory_space<vmem>>, vector<64xf32>
      tpu.vector_store %arg3[%swap3A_11], %broadcast_in_dim3A_10 {strides = array<i32>} : memref<64xf32, #tpu.memory_space<vmem>>, vector<64xf32>,
    } else {
    }
    %get3A_7 = arith.constant 0 : index
    %get3A_8 = vector.load %arg3[%get3A_7] : memref<64xf32, #tpu.memory_space<vmem>>, vector<64xf32>
    %add3A = arith.addf %get3A_8, %dot_general3A_4 : vector<64xf32>
    %swap3A = arith.constant 0 : index
    %swap3A_9 = vector.load %arg3[%swap3A] : memref<64xf32, #tpu.memory_space<vmem>>, vector<64xf32>
    tpu.vector_store %arg3[%swap3A], %add3A {strides = array<i32>} : memref<64xf32, #tpu.memory_space<vmem>>, vector<64xf32>,
    return
  }
  func.func @transform_0(%arg0: i32) -> (i32, i32) {
    %c0_i32 = arith.constant 0 : i32
    %c0_i32_0 = arith.constant 0 : i32
    return %c0_i32, %arg0 : i32, i32
  }
  func.func @transform_1(%arg0: i32) -> i32 {
    %c0_i32 = arith.constant 0 : i32
    return %arg0 : i32
  }
  func.func @transform_2(%arg0: i32) -> i32 {
    %c0_i32 = arith.constant 0 : i32
    %c0_i32_0 = arith.constant 0 : i32
    return %c0_i32 : i32
  }
}

</mosaic_0001>

<sc_bundles>
// kernel: kernel.4.cloned.1.call-start
scs
__scs_entry_jumppad:
0x0: {  	(pc) =	sbr.rel $0x88, $3  }
0x1: {  	(tag) =	ssettag $0x0;
	lr =	simm.s32 $0x1  }
0x2: {  	[smem:$0x3F9F] =	sst lr;
	_ =	strace $0xD0000000  }
0x3: {  	_ = 	snop  }
0x4: {  	_ = 	snop  }
0x5: {  	_ = 	snop  }
0x6: {  	_ = 	snop  }
0x7: {  	_ = 	snop  }
__scs_overlays_trampoline_lowered:
0x8: {  	[smem:$0x3FAE] =	sst s0  }
0x9: {  	[smem:$0x3FAF] =	sst s1  }
0xa: {  	[smem:$0x3FB0] =	sst s2  }
0xb: {  	[smem:$0x3FB1] =	sst s3  }
0xc: {  	[smem:$0x3FB2] =	sst s4  }
0xd: {  	[smem:$0x3FB3] =	sst s5  }
0xe: {  	[smem:$0x3FB4] =	sst s6  }
0xf: {  	[smem:$0x3FB5] =	sst s7  }
0x10: {  	[smem:$0x3FB6] =	sst s8  }
0x11: {  	[smem:$0x3FB7] =	sst s9;
	s0 =	simm.s32 @!p0 $0x0  }
0x12: {  	s1 =	sld [smem:$0x3F9D];
	s0 =	simm.s32 @p0 $0x1  }
0x13: {  	[smem:$0x3FB8] =	sst s0;
	s0 =	simm.s32 @!p1 $0x0  }
0x14: {  	s2 =	sld [smem:$0x3F9C];
	s0 =	simm.s32 @p1 $0x1  }
0x15: {  	[smem:$0x3FB9] =	sst s0;
	s0 =	simm.s32 @!p2 $0x0  }
0x16: {  	s3 =	sld [smem:$0x3FDB];
	s0 =	simm.s32 @p2 $0x1  }
0x17: {  	s4 =	simm.s32 $0x1BF5;
	[smem:$0x3FBB] =	sst s0  }
0x18: {  	s0 =	sld [smem:$0x3F9E];
	_ =	swait.ge [sflag:s4], $0x0  }
0x19: {  	s7 =	sld [smem:$0x3F9F]  }
0x1a: {  	s8 =	sadd.s32 $0xFFFFE003, lr  }
0x1b: {  	s9 =	sadd.s32 $0xFFFFFEF7, lr;
	s5 =	simm.s32 $0xFFFFFFFF;
	p2 =	slt.u32 s8, $0xFFFFF086  }
0x1c: {  	p1 =	slt.u32 s9, $0xF7A;
	s5 =	simm.s32 @!p2 $0x0  }
0x1d: {  	s5 =	simm.s32 @p1 $0x1;
	p0 =	seq.s32 s7, s2  }
0x1e: {  	s7 =	smul.u32 @!p0 $0xF7A, s2;
	p2 =	seq.s32 @!p0 s5, $0x0  }
0x1f: {  	s9 =	smul.u32 $0xF7A, s1;
	s8 =	simm.s32 @!p0 $0x1BF5;
	p2 =	por !p2, p0  }
0x20: {  	[sflag:s8] =	ssyncset.s32 @!p0 $0xFFFFF086;
	s6 =	sadd.s32 @!p0 s3, s7;
	s7 =	simm.s32 @!p0 $0x108  }
0x21: {  	s3 =	sadd.s32 s3, s9;
	s6 =	sadd.s32 @!p0 $0x88, s6;
	s7 =	simm.s32 @p2 $0x1082  }
0x22: {  	[simem:s7], [sflag:s8] =	dma.local @!p0 [hbm:s6], $0xF7A  }
0x23: {  	s9 =	sor.u32 $0xD0000000, s2;
	s6 =	simm.s32 $0x108;
	_ =	swait.ge @!p0 [sflag:s8], $0x0  }
0x24: {  	s3 =	sadd.s32 $0x88, s3;
	s6 =	simm.s32 @!p1 $0x1082;
	[sflag:s4] =	ssyncset.s32 $0xFFFFF086  }
0x25: {  	[simem:s6], [sflag:s4] =	dma.local [hbm:s3], $0xF7A  }
0x26: {  	[smem:$0x3F9F] =	sst s1;
	(tag) =	ssettag s2;
	_ =	strace s9  }
0x27: {  	s1 =	sld [smem:$0x3FAF]  }
0x28: {  	s2 =	sld [smem:$0x3FB0]  }
0x29: {  	s4 =	sld [smem:$0x3FB2]  }
0x2a: {  	p0 =	seq.s32 s5, $0x0;
	s5 =	sld [smem:$0x3FB3]  }
0x2b: {  	s6 =	sld [smem:$0x3FB4]  }
0x2c: {  	s7 =	sld [smem:$0x3FB5]  }
0x2d: {  	s3 =	simm.s32 $0x108;
	s8 =	sld [smem:$0x3FB6]  }
0x2e: {  	s3 =	simm.s32 @!p0 $0x1082;
	s9 =	sld [smem:$0x3FB7]  }
0x2f: {  	lr =	sadd.s32 s0, s3;
	s0 =	sld [smem:$0x3FAE]  }
0x30: {  	s3 =	sld [smem:$0x3FB1]  }
0x31: {  	[smem:$0x3FBA] =	sst s10  }
0x32: {  	s10 =	sld [smem:$0x3FB8];
	_ =	sdelay $0x3  }
0x33: {  	p0 =	seq.s32 s10, $0x1;
	s10 =	sld [smem:$0x3FBA];
	_ =	sdelay $0x3  }
0x34: {  	[smem:$0x3FBA] =	sst s10  }
0x35: {  	s10 =	sld [smem:$0x3FB9];
	_ =	sdelay $0x3  }
0x36: {  	p1 =	seq.s32 s10, $0x1;
	s10 =	sld [smem:$0x3FBA];
	_ =	sdelay $0x3  }
0x37: {  	[smem:$0x3FBA] =	sst s10  }
0x38: {  	s10 =	sld [smem:$0x3FBB]  }
0x39: {  	_ = 	snop;
	(pc) =	sbr.ind lr, $3  }
0x3a: {  	_ = 	snop  }
0x3b: {  	_ = 	snop  }
0x3c: {  	p2 =	seq.s32 s10, $0x1;
	s10 =	sld [smem:$0x3FBA]  }
0x3d: {  	_ =	shalt  }
0x3e: {  	_ =	shalt  }
0x3f: {  	_ =	shalt  }
0x40: {  	_ =	shalt  }
0x41: {  	_ =	shalt  }
0x42: {  	_ =	shalt  }
0x43: {  	_ =	shalt  }
0x44: {  	_ =	shalt  }
0x45: {  	_ =	shalt  }
0x46: {  	_ =	shalt  }
0x47: {  	_ =	shalt  }
0x48: {  	_ =	shalt  }
0x49: {  	_ =	shalt  }
0x4a: {  	_ =	shalt  }
0x4b: {  	_ =	shalt  }
0x4c: {  	_ =	shalt  }
0x4d: {  	_ =	shalt  }
0x4e: {  	_ =	shalt  }
0x4f: {  	_ =	shalt  }
0x50: {  	_ =	shalt  }
0x51: {  	_ =	shalt  }
0x52: {  	_ =	shalt  }
0x53: {  	_ =	shalt  }
0x54: {  	_ =	shalt  }
0x55: {  	_ =	shalt  }
0x56: {  	_ =	shalt  }
0x57: {  	_ =	shalt  }
0x58: {  	_ =	shalt  }
0x59: {  	_ =	shalt  }
0x5a: {  	_ =	shalt  }
0x5b: {  	_ =	shalt  }
0x5c: {  	_ =	shalt  }
0x5d: {  	_ =	shalt  }
0x5e: {  	_ =	shalt  }
0x5f: {  	_ =	shalt  }
0x60: {  	_ =	shalt  }
0x61: {  	_ =	shalt  }
0x62: {  	_ =	shalt  }
0x63: {  	_ =	shalt  }
0x64: {  	_ =	shalt  }
0x65: {  	_ =	shalt  }
0x66: {  	_ =	shalt  }
0x67: {  	_ =	shalt  }
0x68: {  	_ =	shalt  }
0x69: {  	_ =	shalt  }
0x6a: {  	_ =	shalt  }
0x6b: {  	_ =	shalt  }
0x6c: {  	_ =	shalt  }
0x6d: {  	_ =	shalt  }
0x6e: {  	_ =	shalt  }
0x6f: {  	_ =	shalt  }
0x70: {  	_ =	shalt  }
0x71: {  	_ =	shalt  }
0x72: {  	_ =	shalt  }
0x73: {  	_ =	shalt  }
0x74: {  	_ =	shalt  }
0x75: {  	_ =	shalt  }
0x76: {  	_ =	shalt  }
0x77: {  	_ =	shalt  }
0x78: {  	_ =	shalt  }
0x79: {  	_ =	shalt  }
0x7a: {  	_ =	shalt  }
0x7b: {  	_ =	shalt  }
0x7c: {  	_ =	shalt  }
0x7d: {  	_ =	shalt  }
0x7e: {  	_ =	shalt  }
0x7f: {  	_ =	shalt  }
0x80: {  	_ =	shalt  }
0x81: {  	_ =	shalt  }
0x82: {  	_ =	shalt  }
0x83: {  	_ =	shalt  }
0x84: {  	_ =	shalt  }
0x85: {  	_ =	shalt  }
0x86: {  	_ =	shalt  }
0x87: {  	_ =	shalt  }
.Lfunc_end0:
.L_simem_size_0:
called_computation_lowered:
.L_overlay_start_0:
0x88: {  	s2 =	sld [smem:$0x3FD9]  }
0x89: {  	s3 =	sld [smem:$0x3FFE];
	_ =	sdelay $0x1  }
0x8a: {  	s1 =	srdreg.scid  }
0x8b: {  	s0 =	sand.u32 $0x1, s1  }
0x8c: {  	s17 =	sshll.u32 s0, $0xA;
	s2 =	sadd.s32 s3, s2  }
0x8d: {  	s2 =	sadd.s32 s2, s17  }
0x8e: {  	[smem:$0x3FC6] =	sst s2  }
0x8f: {  	_ = 	snop  }
0x90: {  	s2 =	sld [smem:$0x3FD0];
	(tm) =	ssettm $0x1  }
0x91: {  	s18 =	sld [smem:$0x3FFB];
	_ =	sdelay $0x3  }
0x92: {  	_ =	strace s18  }
0x93: {  	s3 =	sld [smem:$0x3FFC];
	_ =	sdelay $0x3  }
0x94: {  	_ =	strace s3  }
0x95: {  	s3 =	sld [smem:$0x3FFD];
	_ =	sdelay $0x3  }
0x96: {  	_ =	strace s3  }
0x97: {  	_ =	strace $0x8FFFFFFF  }
0x98: {  	s19 =	sld [smem:$0x3FDB];
	_ =	sdelay $0x1  }
0x99: {  	s4 =	simm.s32 $_scs_section_size  }
0x9a: {  	s5 =	simm.s32 $_size__tile_overlayer_lowered;
	s6 =	simm.s32 $_tile_overlayer_lowered  }
0x9b: {  	s22 =	simm.s32 $0x1BFF;
	s21 =	sshll.u32 s6, $0x1;
	s3 =	sadd.s32 s4, s19  }
0x9c: {  	s7 =	simm.s32 $0x0;
	s20 =	sshll.u32 s5, $0x1;
	s5 =	sadd.s32 s21, s3  }
0x9d: {  	[timem:s7], [sflag:s22] =	dma.local [hbm:s5], s20  }
0x9e: {  	_ =	swait.ge [sflag:s22], s20  }
0x9f: {  	s4 =	ssub.s32 $0x0, s20;
	[sflag:s22] =	ssyncset.done $0x0  }
0xa0: {  	[sflag:s22] =	ssyncadd.s32 s4;
	_ =	sdelay $0x1  }
0xa1: {  	s23 =	simm.s32 $0x1B8B  }
0xa2: {  	_ =	swait.ge [sflag:s23], $0x1  }
0xa3: {  	[sflag:s23] =	ssyncset.done $0x0  }
0xa4: {  	s25 =	simm.s32 $0x1B8E;
	s24 =	sld [smem:$0x3FFE];
	[sflag:s23] =	ssyncadd.s32 $0xFFFFFFFF  }
0xa5: {  	s26 =	simm.s32 $execute0_lowered;
	[smem:$0x3FD2] =	sst s25  }
0xa6: {  	s5 =	sshll.u32 s26, $0x1;
	_ =	strace $0x80000046;
	[dreg:$0x1] =	wrdreg $0xFFFFFFFF  }
0xa7: {  	s28 =	simm.s32 $_size_execute0_lowered;
	s3 =	sadd.s32 s3, s5;
	[dreg:$0x0] =	wrdreg $0x0  }
0xa8: {  	s5 =	sshll.u32 s28, $0x1;
	[dreg:$0x2] =	wrdreg s3  }
0xa9: {  	[dreg:$0x3] =	wrdreg s5  }
0xaa: {  	[dreg:$0x4] =	wrdreg $0xC0  }
0xab: {  	_ =	task [dreg:s7], $0x5FFFF  }
0xac: {  	[dreg:$0x1] =	wrdreg $0xFFFFFFFF  }
0xad: {  	[dreg:$0x0] =	wrdreg $0x60  }
0xae: {  	[dreg:$0x2] =	wrdreg s24  }
0xaf: {  	[dreg:$0x3] =	wrdreg s2  }
0xb0: {  	[dreg:$0x4] =	wrdreg $0x24800  }
0xb1: {  	[dreg:$0x5] =	wrdreg $0x9  }
0xb2: {  	_ =	task.clear_ibuf [dreg:s7], $0x6FFFF;
	_ =	strace $0x90000046  }
0xb3: {  	s29 =	simm.s32 $0x9;
	_ =	strace $0x80000048  }
0xb4: {  	_ =	swait.ge [sflag:s29], $0x1  }
0xb5: {  	[sflag:s29] =	ssyncadd.s32 $0xFFFFFFFF  }
0xb6: {  	_ =	strace $0x90000048  }
0xb7: {  	_ =	sfence  }
0xb8: {  	s30 =	sld [smem:$0x0];
	_ =	sdelay $0x2  }
0xb9: {  	s31 =	sshll.u32 s1, $0xD;
	s1 =	sshrl.u32 s1, $0x2  }
0xba: {  	s3 =	sand.u32 $0x4000, s31;
	s1 =	sadd.s32 s1, s30  }
0xbb: {  	s0 =	sor.u32 s3, s0;
	s1 =	sshll.u32 s1, $0x11  }
0xbc: {  	s0 =	sor.u32 s1, s0  }
0xbd: {  	s0 =	sadd.s32 $0x8F2B, s0  }
0xbe: {  	[sflag:s0] =	ssyncadd.remote.s32 $0x1  }
0xbf: {  	_ =	sfence.sel $0xFFFF  }
0xc0: {  	[dreg:$0x0] =	wrdreg $0xFFFFFFFF;
	(pc) =	sbr.abs _section_cstart, $3  }
0xc1: {  	[dreg:$0x1] =	wrdreg $0xFFFFFFFF  }
0xc2: {  	_ =	task.clear_ibuf [dreg:s7], $0x2FFFF;
	_ =	strace $0x9FFFFFFF  }
0xc3: {  	(tm) =	ssettm $0x7FFFFFFF  }
tec
execute0_lowered:
.L_overlay_start_1:
0x0: {  	(tag) =	ssettag $0x1  }
0x1: {  	s5 =	rddreg [dreg:$0x0]  }
0x2: {  	s0 =	rddreg [dreg:$0x1];
	s2 =	stileid.u32  }
0x3: {  	s1 =	srdreg.scid;
	s3 =	rddreg [dreg:$0x2]  }
0x4: {  	s4 =	simm.s32 $0x0;
	s16 =	simm.s32 $0x480;
	s17 =	simm.s32 $0x1  }
0x5: {  	s18 =	simm.s32 $0x400;
	s19 =	simm.s32 $0x2400;
	s20 =	simm.s32 $0x80  }
0x6: {  	s21 =	simm.s32 $0x2380;
	s22 =	simm.s32 $0x100;
	s24 =	simm.s32 $0x200  }
0x7: {  	s25 =	simm.s32 $0x280;
	s28 =	simm.s32 $0x380;
	s29 =	simm.s32 $0x0  }
0x8: {  	s6 =	sand.u32 $0x1, s1;
	s7 =	smul.u32 $0x7C00, s2;
	s1 =	rddreg [dreg:$0x3]  }
0x9: {  	[smem:$0x7FF] =	sst s4;
	s9 =	sshll.u32 s2, $0x7;
	s31 =	sshll.u32 s2, $0x4  }
0xa: {  	p0 =	sne.s32 s2, $0x0;
	s23 =	smul.u32 $0x7C000, s6;
	_ =	strace $0x80000047  }
0xb: {  	v1 =	vlaneseq.u32;
	s6 =	ssub.s32 $0x2, s6;
	s9 =	sadd.s32 s9, s5;
	s26 =	sor.u32 $0x7C000, s31  }
0xc: {  	s10 =	sshrl.u32 s6, $0x1;
	v1 =	vor.u32 s26, v1;
	s26 =	simm.s32 $0x300;
	s8 =	sadd.s32 s7, s23  }
0xd: {  	s10 =	ssub.s32 s6, s10;
	s6 =	sadd.s32 $0x7C000, s3;
	s8 =	sshrl.u32 s8, $0x3  }
0xe: {  	v0 =	vmov s23;
	s23 =	simm.s32 $0x180;
	s15 =	sadd.s32 s8, s5;
	s5 =	sadd.s32 s7, s3  }
0xf: {  	s7 =	sadd.s32 $0xA00, s9;
	s9 =	smax.u32 s10, $0x1;
	s8 =	sadd.s32 $0x1200, s15  }
0x10: {  	s10 =	sadd.s32 $0x1F00, s5;
	s11 =	sadd.s32 $0x3E00, s5;
	s12 =	sadd.s32 $0x5D00, s5  }
0x11: {  	v2 =	vimm.f32 $0.0e+00;
	v3 =	vimm.f32 $1.000000000e+00;
	s13 =	sadd.s32 $0x15E0, s15;
	s14 =	sadd.s32 $0x19C0, s15;
	s15 =	sadd.s32 $0x1DA0, s15  }
.LBB2_1:
0x12: {  	s30 =	simm.s32 $0x40;
	s31 =	simm.s32 $0x0  }
.LBB2_2:
0x13: {  	p1 =	sne.s32 s30, $0x7BC0;
	[tilespmem:s31+$0x480] =	vst v2;
	s31 =	smov.u32 s30;
	s30 =	sadd.s32 $0x40, s30  }
.Ltmp0:
0x14: {  	(pc) =	sbr.rel @p1 .LBB2_2-.Ltmp0, $2  }
0x15: {  	_ =	sdelay $0x2  }
0x16: {  	s31 =	sshra.s32 s31, $0x2  }
0x17: {  	[tilespmem:s31+$0x480] =	vst v2  }
0x18: {  	[tilespmem:$0x2380] =	vst v3  }
0x19: {  	[tilespmem:$0x2390] =	vst v3  }
0x1a: {  	[tilespmem:$0x23A0] =	vst v3  }
0x1b: {  	[tilespmem:$0x23B0] =	vst v3  }
0x1c: {  	[tilespmem:$0x23C0] =	vst v3  }
0x1d: {  	[tilespmem:$0x23D0] =	vst v3  }
0x1e: {  	[tilespmem:$0x23E0] =	vst v3  }
0x1f: {  	[tilespmem:$0x23F0] =	vst v3  }
0x20: {  	[spmem:s5] =	stream.linear.scatter [tilespmem:s16], [sflag:$0x1], $0x1F00, $0x38;
	[tilespmem:$0xA090] =	vst v63  }
0x21: {  	_ =	swait.ge [sflag:s17], $0x1F00  }
0x22: {  	[sflag:s17] =	ssyncset.done $0x0  }
0x23: {  	[sflag:s17] =	ssyncadd.s32 $0xFFFFE100  }
0x24: {  	[spmem:s10] =	stream.linear.scatter [tilespmem:s16], [sflag:$0x1], $0x1F00, $0x38;
	[tilespmem:$0xA090] =	vst v63  }
0x25: {  	_ =	swait.ge [sflag:s17], $0x1F00  }
0x26: {  	[sflag:s17] =	ssyncset.done $0x0  }
0x27: {  	[sflag:s17] =	ssyncadd.s32 $0xFFFFE100  }
0x28: {  	[spmem:s11] =	stream.linear.scatter [tilespmem:s16], [sflag:$0x1], $0x1F00, $0x38;
	[tilespmem:$0xA090] =	vst v63  }
0x29: {  	_ =	swait.ge [sflag:s17], $0x1F00  }
0x2a: {  	[sflag:s17] =	ssyncset.done $0x0  }
0x2b: {  	[sflag:s17] =	ssyncadd.s32 $0xFFFFE100  }
0x2c: {  	[spmem:s12] =	stream.linear.scatter [tilespmem:s16], [sflag:$0x1], $0x1F00, $0x38;
	[tilespmem:$0xA090] =	vst v63  }
0x2d: {  	_ =	swait.ge [sflag:s17], $0x1F00  }
0x2e: {  	[sflag:s17] =	ssyncset.done $0x0  }
0x2f: {  	s30 =	simm.s32 @!p0 $0x480;
	[sflag:s17] =	ssyncadd.s32 $0xFFFFE100  }
0x30: {  	[spmem:s6] =	stream.linear.scatter @!p0 [tilespmem:s30], [sflag:$0x1], $0x100, $0x38;
	[tilespmem:$0xA090] =	vst v63  }
0x31: {  	s30 =	simm.s32 @!p0 $0x1  }
0x32: {  	_ =	swait.ge @!p0 [sflag:s30], $0x100  }
0x33: {  	[sflag:s30] =	ssyncset.done @!p0 $0x0  }
0x34: {  	[sflag:s30] =	ssyncadd.s32 @!p0 $0xFFFFFF00;
	s30 =	simm.s32 $0x0  }
0x35: {  	[tilespmem:s30], [sflag:$0x1] =	stream.linear.gather [hbm4b:s7+s30], $0x400, $0x38;
	[tilespmem:$0xA090] =	vst v63  }
0x36: {  	_ =	swait.ge [sflag:s17], $0x400  }
0x37: {  	[sflag:s17] =	ssyncset.done $0x0  }
0x38: {  	[sflag:s17] =	ssyncadd.s32 $0xFFFFFC00  }
0x39: {  	[tilespmem:s18], [sflag:$0x1] =	stream.linear.gather [hbm4b:s0+s30], $0x80, $0x38;
	[tilespmem:$0xA090] =	vst v63  }
0x3a: {  	_ =	swait.ge [sflag:s17], $0x80  }
0x3b: {  	[sflag:s17] =	ssyncset.done $0x0  }
0x3c: {  	[sflag:s17] =	ssyncadd.s32 $0xFFFFFF80  }
0x3d: {  	v4 =	vld [tilespmem:$0x400];
	_ =	sdelay $0x4  }
0x3e: {  	s31 =	simm.s32 $0x40;
	s30 =	simm.s32 $0x0;
	v4 =	vsub.s32 v4, v0  }
.LBB2_4:
0x3f: {  	p1 =	sne.s32 s31, $0xFC0;
	v5 =	vld [tilespmem:s30+$0x0];
	_ =	sdelay $0x3  }
.Ltmp1:
0x40: {  	(pc) =	sbr.rel @p1 .LBB2_4-.Ltmp1, $4  }
0x41: {  	v5 =	vadd.s32 v4, v5  }
0x42: {  	vm0 =	vlt.u32 v5, $0x7C000  }
0x43: {  	v5 =	vsel vm0, v5, v1  }
0x44: {  	[tilespmem:s30+$0x0] =	vst v5;
	s30 =	sshra.s32 s31, $0x2;
	s31 =	sadd.s32 $0x40, s31  }
0x45: {  	v5 =	vld [tilespmem:s30+$0x0];
	_ =	sdelay $0x4  }
0x46: {  	v4 =	vadd.s32 v4, v5  }
0x47: {  	vm0 =	vlt.u32 v4, $0x7C000  }
0x48: {  	v4 =	vsel vm0, v4, v1  }
0x49: {  	[tilespmem:s30+$0x0] =	vst v4  }
0x4a: {  	[tilespmem:s19], [sflag:$0x1] =	stream.linear.gather [spmem:s5], $0x80, $0x38;
	[tilespmem:$0xA090] =	vst v63  }
0x4b: {  	_ =	swait.ge [sflag:s17], $0x80  }
0x4c: {  	[sflag:s17] =	ssyncset.done $0x0  }
0x4d: {  	[sflag:s17] =	ssyncadd.s32 $0xFFFFFF80  }
0x4e: {  	[bflag:$0x0] =	sbarrier.arrive $0xFFFF  }
0x4f: {  	[spmem:s3] =	stream.indirect.scatter.add.f32 [tilespmem:s21], [sflag:$0x1], $0x1, s4, s20, $0xb8;
	[tilespmem:$0xA090] =	vst v63  }
0x50: {  	_ =	swait.ge [sflag:s17], $0x80  }
0x51: {  	[sflag:s17] =	ssyncset.done $0x0  }
0x52: {  	[sflag:s17] =	ssyncadd.s32 $0xFFFFFF80  }
0x53: {  	[spmem:s3] =	stream.indirect.scatter.add.f32 [tilespmem:s21], [sflag:$0x1], $0x1, s20, s20, $0xb8;
	[tilespmem:$0xA090] =	vst v63  }
0x54: {  	_ =	swait.ge [sflag:s17], $0x80  }
0x55: {  	[sflag:s17] =	ssyncset.done $0x0  }
0x56: {  	[sflag:s17] =	ssyncadd.s32 $0xFFFFFF80  }
0x57: {  	[spmem:s3] =	stream.indirect.scatter.add.f32 [tilespmem:s21], [sflag:$0x1], $0x1, s22, s20, $0xb8;
	[tilespmem:$0xA090] =	vst v63  }
0x58: {  	_ =	swait.ge [sflag:s17], $0x80  }
0x59: {  	[sflag:s17] =	ssyncset.done $0x0  }
0x5a: {  	[sflag:s17] =	ssyncadd.s32 $0xFFFFFF80  }
0x5b: {  	[spmem:s3] =	stream.indirect.scatter.add.f32 [tilespmem:s21], [sflag:$0x1], $0x1, s23, s20, $0xb8;
	[tilespmem:$0xA090] =	vst v63  }
0x5c: {  	_ =	swait.ge [sflag:s17], $0x80  }
0x5d: {  	[sflag:s17] =	ssyncset.done $0x0  }
0x5e: {  	[sflag:s17] =	ssyncadd.s32 $0xFFFFFF80  }
0x5f: {  	[spmem:s3] =	stream.indirect.scatter.add.f32 [tilespmem:s21], [sflag:$0x1], $0x1, s24, s20, $0xb8;
	[tilespmem:$0xA090] =	vst v63  }
0x60: {  	_ =	swait.ge [sflag:s17], $0x80  }
0x61: {  	[sflag:s17] =	ssyncset.done $0x0  }
0x62: {  	[sflag:s17] =	ssyncadd.s32 $0xFFFFFF80  }
0x63: {  	[spmem:s3] =	stream.indirect.scatter.add.f32 [tilespmem:s21], [sflag:$0x1], $0x1, s25, s20, $0xb8;
	[tilespmem:$0xA090] =	vst v63  }
0x64: {  	_ =	swait.ge [sflag:s17], $0x80  }
0x65: {  	[sflag:s17] =	ssyncset.done $0x0  }
0x66: {  	[sflag:s17] =	ssyncadd.s32 $0xFFFFFF80  }
0x67: {  	[spmem:s3] =	stream.indirect.scatter.add.f32 [tilespmem:s21], [sflag:$0x1], $0x1, s26, s20, $0xb8;
	[tilespmem:$0xA090] =	vst v63  }
0x68: {  	_ =	swait.ge [sflag:s17], $0x80  }
0x69: {  	[sflag:s17] =	ssyncset.done $0x0  }
0x6a: {  	[sflag:s17] =	ssyncadd.s32 $0xFFFFFF80  }
0x6b: {  	[spmem:s3] =	stream.indirect.scatter.add.f32 [tilespmem:s21], [sflag:$0x1], $0x1, s28, s20, $0xb8;
	[tilespmem:$0xA090] =	vst v63  }
0x6c: {  	_ =	swait.ge [sflag:s17], $0x80  }
0x6d: {  	[sflag:s17] =	ssyncset.done $0x0  }
0x6e: {  	[sflag:s17] =	ssyncadd.s32 $0xFFFFFF80  }
0x6f: {  	[tilespmem:s19], [sflag:$0x1] =	stream.indirect.gather [spmem:s3], $0x1, s28, s20, $0xb8;
	[tilespmem:$0xA090] =	vst v63  }
0x70: {  	_ =	swait.ge [sflag:s17], $0x80  }
0x71: {  	[sflag:s17] =	ssyncset.done $0x0  }
0x72: {  	s31 =	sshll.u32 s2, $0x6;
	[sflag:s17] =	ssyncadd.s32 $0xFFFFFF80  }
0x73: {  	s30 =	sor.u32 $0x1C01, s31;
	s31 =	sshrl.u32 s5, $0x3;
	[bflag:$0x0] =	sbarrier.arrive $0xFFFF  }
0x74: {  	[hbm:s8], [sflag:s30] =	dma.local [spmem:s31], $0x3E0  }
0x75: {  	_ =	swait.ge [sflag:s17], $0x3E0  }
0x76: {  	[sflag:s17] =	ssyncset.done $0x0  }
0x77: {  	s31 =	sshrl.u32 s10, $0x3;
	[sflag:s17] =	ssyncadd.s32 $0xFFFFFC20  }
0x78: {  	[hbm:s13], [sflag:s30] =	dma.local [spmem:s31], $0x3E0  }
0x79: {  	_ =	swait.ge [sflag:s17], $0x3E0  }
0x7a: {  	[sflag:s17] =	ssyncset.done $0x0  }
0x7b: {  	s31 =	sshrl.u32 s11, $0x3;
	[sflag:s17] =	ssyncadd.s32 $0xFFFFFC20  }
0x7c: {  	[hbm:s14], [sflag:s30] =	dma.local [spmem:s31], $0x3E0  }
0x7d: {  	s29 =	sadd.s32 $0x1, s29;
	_ =	swait.ge [sflag:s17], $0x3E0  }
0x7e: {  	p1 =	sne.s32 s29, s9;
	[sflag:s17] =	ssyncset.done $0x0  }
.Ltmp2:
0x7f: {  	s31 =	sshrl.u32 s12, $0x3;
	[sflag:s17] =	ssyncadd.s32 $0xFFFFFC20;
	(pc) =	sbr.rel @p1 .LBB2_1-.Ltmp2, $4  }
0x80: {  	[hbm:s15], [sflag:s30] =	dma.local [spmem:s31], $0x3E0  }
0x81: {  	_ =	swait.ge [sflag:s17], $0x3E0  }
0x82: {  	[sflag:s17] =	ssyncset.done $0x0  }
0x83: {  	[sflag:s17] =	ssyncadd.s32 $0xFFFFFC20  }
0x84: {  	_ =	sfence.sel $0x180000  }
0x85: {  	[bflag:$0x0] =	sbarrier.arrive $0xFFFF  }
0x86: {  	_ =	strace $0x90000047  }
0x87: {  	s0 =	sadd.s32 @!p0 $0x100000, s1;
	[bflag:$0x2] =	sbarrier.arrive $0xFFFF  }
0x88: {  	[sflag:s0] =	ssyncadd.tile.s32 @!p0 $0x1;
	_ =	shalt  }
.Lfunc_end2:
_tile_overlayer_lowered:
.L_overlay_start_2:
0x89: {  	(tag) =	ssettag $0x2  }
0x8a: {  	s0 =	rddreg [dreg:$0x0];
	s2 =	stileid.u32  }
0x8b: {  	s1 =	rddreg [dreg:$0x1];
	p0 =	sne.s32 s2, $0x0  }
0x8c: {  	s3 =	rddreg [dreg:$0x2];
	[bflag:$0x3] =	sbarrier.arrive $0xFFFF;
	s2 =	simm.s32 @!p0 $0x1C01  }
0x8d: {  	[timem:s3], [sflag:s2] =	dma.local @!p0 [hbm:s0], s1  }
0x8e: {  	s0 =	simm.s32 @!p0 $0x1  }
0x8f: {  	_ =	swait.ge @!p0 [sflag:s0], s1  }
0x90: {  	s1 =	ssub.s32 @!p0 $0x0, s1;
	[sflag:s0] =	ssyncset.done @!p0 $0x0  }
0x91: {  	[sflag:s0] =	ssyncadd.s32 @!p0 s1  }
0x92: {  	[bflag:$0x3] =	sbarrier.arrive $0xFFFF  }
0x93: {  	_ =	shalt  }

</sc_bundles>
